<compile_context>
chip_gen: v7x
topology: tpu7x:2x2x1
jax: 0.10.2.dev20260603
libtpu: 0.0.44.dev20260713+nightly
codegen_flags: <defaults>
</compile_context>

<pallas_src>
import functools

import jax
import jax.numpy as jnp
from jax import lax
from jax.experimental import pallas as pl
from jax.experimental.pallas import tpu as pltpu
from jax.experimental.pallas import tpu_sc as plsc

BATCH, NCHAN, HDIM = 128, 64, 4096
ROWS = BATCH * NCHAN
SAMPLE_BLK = 512

NW = 32
B_PER_W = ROWS // NW
CHUNK = 8
NCHUNK = B_PER_W // CHUNK


def _sample_body(logits_ref, g_ref, out_ref):
    z = g_ref[...] + logits_ref[...]
    m = jnp.max(z, axis=1, keepdims=True)
    kk = lax.broadcasted_iota(jnp.int32, z.shape, 1)
    idx = jnp.min(jnp.where(z == m, kk, NCHAN), axis=1, keepdims=True)
    r = pl.program_id(0) * SAMPLE_BLK + lax.broadcasted_iota(
        jnp.int32, (SAMPLE_BLK, 1), 0)
    out_ref[...] = (r // NCHAN) * NCHAN + idx


_sample = pl.pallas_call(
    _sample_body,
    grid=(ROWS // SAMPLE_BLK,),
    in_specs=[
        pl.BlockSpec((1, NCHAN), lambda i: (0, 0)),
        pl.BlockSpec((SAMPLE_BLK, NCHAN), lambda i: (i, 0)),
    ],
    out_specs=pl.BlockSpec((SAMPLE_BLK, 1), lambda i: (i, 0)),
    out_shape=jax.ShapeDtypeStruct((ROWS, 1), jnp.int32),
)


def _gather_body(x_hbm, src_hbm, out_hbm, idx_v, rows_v,
                 gsem0, gsem1, ssem0, ssem1):
    wid = lax.axis_index("s") * 2 + lax.axis_index("c")
    base = wid * B_PER_W
    pltpu.sync_copy(src_hbm.at[wid], idx_v)
    gsems = (gsem0, gsem1)
    ssems = (ssem0, ssem1)

    def g_start(j, b):
        pltpu.async_copy(x_hbm.at[idx_v.at[j]], rows_v.at[b], gsems[b])

    def g_wait(j, b):
        pltpu.make_async_copy(x_hbm.at[idx_v.at[j]], rows_v.at[b],
                              gsems[b]).wait()

    def s_start(j, b):
        pltpu.async_copy(rows_v.at[b],
                         out_hbm.at[pl.ds(base + j * CHUNK, CHUNK)], ssems[b])

    def s_wait(j, b):
        pltpu.make_async_copy(rows_v.at[b],
                              out_hbm.at[pl.ds(base + j * CHUNK, CHUNK)],
                              ssems[b]).wait()

    g_start(0, 0)
    g_start(1, 1)

    def body(t, carry):
        j0 = 2 * t
        j1 = j0 + 1
        g_wait(j0, 0)
        s_start(j0, 0)
        g_wait(j1, 1)
        s_start(j1, 1)

        @pl.when(t + 1 < NCHUNK // 2)
        def _():
            s_wait(j0, 0)
            g_start(j0 + 2, 0)
            s_wait(j1, 1)
            g_start(j1 + 2, 1)

        return carry

    lax.fori_loop(0, NCHUNK // 2, body, 0)
    s_wait(NCHUNK - 2, 0)
    s_wait(NCHUNK - 1, 1)


_gather = functools.partial(
    pl.kernel,
    out_type=jax.ShapeDtypeStruct((ROWS, HDIM), jnp.float32),
    mesh=plsc.VectorSubcoreMesh(core_axis_name="c", subcore_axis_name="s"),
    scratch_types=[
        pltpu.VMEM((NCHUNK, CHUNK), jnp.int32),
        pltpu.VMEM((2, CHUNK, HDIM), jnp.float32),
        pltpu.SemaphoreType.DMA,
        pltpu.SemaphoreType.DMA,
        pltpu.SemaphoreType.DMA,
        pltpu.SemaphoreType.DMA,
    ],
)(_gather_body)


def kernel(x, channel_acc):
    batch, nchan, hdim = x.shape
    proba = 1.0 - channel_acc
    proba = proba / jnp.sum(proba)
    logits = jnp.log(proba)
    _, k2 = jax.random.split(jax.random.key(42))
    g = jax.random.gumbel(k2, (batch, nchan, nchan), jnp.float32)
    src = _sample(logits.reshape(1, nchan), g.reshape(ROWS, NCHAN))
    out = _gather(x.reshape(ROWS, hdim), src.reshape(NW, NCHUNK, CHUNK))
    return out.reshape(batch, nchan, hdim)

# --- scband reference (transcript-rebuilt; emitter-appended) ---
"""Pipeline reference for scband-channels-dropout-22342419874422 (READ-ONLY COPY).

The authoritative reference and input builder live on the scoring server;
editing this copy changes nothing except your own understanding.
"""

import jax, jax.numpy as jnp
import numpy as np

DROPOUT_PROB = 1.0

def setup_inputs(seed: int = 0) -> dict:
    key = jax.random.key(seed)
    k1, k2 = jax.random.split(key)
    x = jax.random.normal(k1, (128, 64, 4096), dtype=jnp.float32)
    channel_acc = jax.random.uniform(k2, (64,), dtype=jnp.float32)
    return {"x": x, "channel_acc": channel_acc}

def reference(x, channel_acc):
    # Faithful JAX translation of ChannelsDropout.forward in training mode.
    batch, nchan, hdim = x.shape
    proba = 1.0 - channel_acc
    proba = proba / jnp.sum(proba)
    k1, k2 = jax.random.split(jax.random.key(42))
    # torch.rand(batch) < dropout_prob
    mask = jax.random.uniform(k1, (batch,)) < DROPOUT_PROB
    # torch.multinomial(proba.expand(batch, -1), nchan, replacement=True)
    idx = jax.random.categorical(k2, jnp.log(proba), shape=(batch, nchan))
    batch_idx = jnp.broadcast_to(jnp.arange(batch)[:, None], (batch, nchan))
    # gather: x[batch_idx, idx, :]
    gathered = x[batch_idx, idx, :]
    # x_shuffled[mask] = gathered[mask]; rows with mask False keep original x
    out = jnp.where(mask[:, None, None], gathered, x)
    return out

if __name__ == "__main__":
    import jax
    _d = setup_inputs()
    print(jax.jit(kernel)(*tuple(_d.values())))

</pallas_src>

<mosaic_0001>
#map = affine_map<(d0, d1) -> (0, 0)>
#map1 = affine_map<(d0, d1) -> (0, 0, 0)>
module attributes {stable_mosaic.version = 14 : i64} {
  func.func @_gather_body(%arg0: i32, %arg1: i32, %arg2: memref<8192x4096xf32, #tpu.memory_space<hbm>>, %arg3: memref<32x32x8xi32, #tpu.memory_space<hbm>>, %arg4: memref<8192x4096xf32, #tpu.memory_space<hbm>>, %arg5: memref<32x8xi32, #tpu.memory_space<vmem>>, %arg6: memref<2x8x4096xf32, #tpu.memory_space<vmem>>, %arg7: memref<!tpu.dma_semaphore, #tpu.memory_space<semaphore_mem>>, %arg8: memref<!tpu.dma_semaphore, #tpu.memory_space<semaphore_mem>>, %arg9: memref<!tpu.dma_semaphore, #tpu.memory_space<semaphore_mem>>, %arg10: memref<!tpu.dma_semaphore, #tpu.memory_space<semaphore_mem>>) attributes {dimension_semantics = [#tpu.dimension_semantics<core_parallel>, #tpu.dimension_semantics<subcore_parallel>], iteration_bounds = array<i64: 2, 16>, scalar_prefetch = 0 : i64, scratch_operands = 6 : i64, tpu.core_type = #tpu.core_type<sc_vector_subcore>, window_params = [{transform_indices = #map}, {transform_indices = #map1}, {transform_indices = #map}]} {
    %mul3A = arith.constant 2 : i32
    %mul3A_0 = arith.muli %arg1, %mul3A : i32
    %add3A = arith.addi %mul3A_0, %arg0 : i32
    %mul3A_1 = arith.constant 256 : i32
    %mul3A_2 = arith.muli %add3A, %mul3A_1 : i32
    "tpu.region"() ({
      %run_scoped3A = tpu.sem_alloc : memref<!tpu.dma_semaphore, #tpu.memory_space<semaphore_mem>>
      %dma_start3A_60 = arith.constant 0 : i32
      %dma_start3A_61 = arith.constant 0 : i32
      %dma_start3A_62 = tpu.memref_slice %arg3[%add3A, %dma_start3A_60, %dma_start3A_61] : memref<32x32x8xi32, #tpu.memory_space<hbm>> -> memref<1x32x8xi32, #tpu.memory_space<hbm>>
      %dma_start3A_63 = tpu.memref_squeeze %dma_start3A_62 : memref<1x32x8xi32, #tpu.memory_space<hbm>> -> memref<32x8xi32, #tpu.memory_space<hbm>>
      %dma_start3A_64 = arith.constant 0 : i32
      %dma_start3A_65 = arith.constant 0 : i32
      %dma_start3A_66 = tpu.memref_slice %arg3[%add3A, %dma_start3A_64, %dma_start3A_65] : memref<32x32x8xi32, #tpu.memory_space<hbm>> -> memref<1x32x8xi32, #tpu.memory_space<hbm>>
      %dma_start3A_67 = tpu.memref_squeeze %dma_start3A_66 : memref<1x32x8xi32, #tpu.memory_space<hbm>> -> memref<32x8xi32, #tpu.memory_space<hbm>>
      tpu.enqueue_dma source(%dma_start3A_67 : memref<32x8xi32, #tpu.memory_space<hbm>>) target(%arg5 : memref<32x8xi32, #tpu.memory_space<vmem>>) target_semaphore(%run_scoped3A : memref<!tpu.dma_semaphore, #tpu.memory_space<semaphore_mem>>)
      %dma_wait3A_68 = arith.constant 0 : i32
      %dma_wait3A_69 = arith.constant 0 : i32
      %dma_wait3A_70 = tpu.memref_slice %arg3[%add3A, %dma_wait3A_68, %dma_wait3A_69] : memref<32x32x8xi32, #tpu.memory_space<hbm>> -> memref<1x32x8xi32, #tpu.memory_space<hbm>>
      %dma_wait3A_71 = tpu.memref_squeeze %dma_wait3A_70 : memref<1x32x8xi32, #tpu.memory_space<hbm>> -> memref<32x8xi32, #tpu.memory_space<hbm>>
      %dma_wait3A_72 = arith.constant 0 : i32
      %dma_wait3A_73 = arith.constant 0 : i32
      %dma_wait3A_74 = tpu.memref_slice %arg3[%add3A, %dma_wait3A_72, %dma_wait3A_73] : memref<32x32x8xi32, #tpu.memory_space<hbm>> -> memref<1x32x8xi32, #tpu.memory_space<hbm>>
      %dma_wait3A_75 = tpu.memref_squeeze %dma_wait3A_74 : memref<1x32x8xi32, #tpu.memory_space<hbm>> -> memref<32x8xi32, #tpu.memory_space<hbm>>
      tpu.wait_dma2 semaphore(%run_scoped3A : memref<!tpu.dma_semaphore, #tpu.memory_space<semaphore_mem>>) src(%dma_wait3A_75 : memref<32x8xi32, #tpu.memory_space<hbm>>) dst(%arg5 : memref<32x8xi32, #tpu.memory_space<vmem>>)
      tpu.yield
    }) : () -> ()
    %dma_start3A = arith.constant 0 : i32
    %dma_start3A_3 = arith.constant 0 : i32
    %dma_start3A_4 = arith.constant 0 : i32
    %dma_start3A_5 = arith.constant 0 : i32
    %dma_start3A_6 = tpu.memref_slice %arg6[%dma_start3A_3, %dma_start3A_4, %dma_start3A_5] : memref<2x8x4096xf32, #tpu.memory_space<vmem>> -> memref<1x8x4096xf32, #tpu.memory_space<vmem>>
    %dma_start3A_7 = tpu.memref_squeeze %dma_start3A_6 : memref<1x8x4096xf32, #tpu.memory_space<vmem>> -> memref<8x4096xf32, #tpu.memory_space<vmem>>
    %dma_start3A_8 = arith.constant 0 : i32
    %dma_start3A_9 = tpu.memref_slice %arg5[%dma_start3A, %dma_start3A_8] : memref<32x8xi32, #tpu.memory_space<vmem>> -> memref<1x8xi32, #tpu.memory_space<vmem>>
    %dma_start3A_10 = tpu.memref_squeeze %dma_start3A_9 : memref<1x8xi32, #tpu.memory_space<vmem>> -> memref<8xi32, #tpu.memory_space<vmem>>
    %dma_start3A_11 = arith.constant 0 : i32
    %dma_start3A_12 = arith.constant 0 : i32
    %dma_start3A_13 = tpu.memref_slice %arg2[%dma_start3A_11, %dma_start3A_12] : memref<8192x4096xf32, #tpu.memory_space<hbm>> -> memref<8192x4096xf32, #tpu.memory_space<hbm>>
    tpu.enqueue_indirect_dma source(%dma_start3A_13 : memref<8192x4096xf32, #tpu.memory_space<hbm>>) target(%dma_start3A_7 : memref<8x4096xf32, #tpu.memory_space<vmem>>) offsets(%dma_start3A_10 : memref<8xi32, #tpu.memory_space<vmem>>) semaphore(%arg7 : memref<!tpu.dma_semaphore, #tpu.memory_space<semaphore_mem>>)
    %dma_start3A_14 = arith.constant 1 : i32
    %dma_start3A_15 = arith.constant 1 : i32
    %dma_start3A_16 = arith.constant 0 : i32
    %dma_start3A_17 = arith.constant 0 : i32
    %dma_start3A_18 = tpu.memref_slice %arg6[%dma_start3A_15, %dma_start3A_16, %dma_start3A_17] : memref<2x8x4096xf32, #tpu.memory_space<vmem>> -> memref<1x8x4096xf32, #tpu.memory_space<vmem>>
    %dma_start3A_19 = tpu.memref_squeeze %dma_start3A_18 : memref<1x8x4096xf32, #tpu.memory_space<vmem>> -> memref<8x4096xf32, #tpu.memory_space<vmem>>
    %dma_start3A_20 = arith.constant 0 : i32
    %dma_start3A_21 = tpu.memref_slice %arg5[%dma_start3A_14, %dma_start3A_20] : memref<32x8xi32, #tpu.memory_space<vmem>> -> memref<1x8xi32, #tpu.memory_space<vmem>>
    %dma_start3A_22 = tpu.memref_squeeze %dma_start3A_21 : memref<1x8xi32, #tpu.memory_space<vmem>> -> memref<8xi32, #tpu.memory_space<vmem>>
    %dma_start3A_23 = arith.constant 0 : i32
    %dma_start3A_24 = arith.constant 0 : i32
    %dma_start3A_25 = tpu.memref_slice %arg2[%dma_start3A_23, %dma_start3A_24] : memref<8192x4096xf32, #tpu.memory_space<hbm>> -> memref<8192x4096xf32, #tpu.memory_space<hbm>>
    tpu.enqueue_indirect_dma source(%dma_start3A_25 : memref<8192x4096xf32, #tpu.memory_space<hbm>>) target(%dma_start3A_19 : memref<8x4096xf32, #tpu.memory_space<vmem>>) offsets(%dma_start3A_22 : memref<8xi32, #tpu.memory_space<vmem>>) semaphore(%arg8 : memref<!tpu.dma_semaphore, #tpu.memory_space<semaphore_mem>>)
    %scan3A = arith.constant 0 : i32
    %scan3A_26 = arith.constant 0 : i32
    %scan3A_27 = arith.constant 16 : i32
    %scan3A_28 = arith.addi %scan3A_26, %scan3A_27 : i32
    %scan3A_29 = arith.constant 1 : i32
    scf.for %scan3A_60 = %scan3A_26 to %scan3A_28 step %scan3A_29  : i32 {
      %mul3A_61 = arith.constant 2 : i32
      %mul3A_62 = arith.muli %mul3A_61, %scan3A_60 : i32
      %add3A_63 = arith.constant 1 : i32
      %add3A_64 = arith.addi %mul3A_62, %add3A_63 : i32
      %dma_wait3A_65 = arith.constant 0 : i32
      %dma_wait3A_66 = arith.constant 0 : i32
      %dma_wait3A_67 = arith.constant 0 : i32
      %dma_wait3A_68 = tpu.memref_slice %arg6[%dma_wait3A_65, %dma_wait3A_66, %dma_wait3A_67] : memref<2x8x4096xf32, #tpu.memory_space<vmem>> -> memref<1x8x4096xf32, #tpu.memory_space<vmem>>
      %dma_wait3A_69 = tpu.memref_squeeze %dma_wait3A_68 : memref<1x8x4096xf32, #tpu.memory_space<vmem>> -> memref<8x4096xf32, #tpu.memory_space<vmem>>
      %dma_wait3A_70 = arith.constant 0 : i32
      %dma_wait3A_71 = tpu.memref_slice %arg5[%mul3A_62, %dma_wait3A_70] : memref<32x8xi32, #tpu.memory_space<vmem>> -> memref<1x8xi32, #tpu.memory_space<vmem>>
      %dma_wait3A_72 = tpu.memref_squeeze %dma_wait3A_71 : memref<1x8xi32, #tpu.memory_space<vmem>> -> memref<8xi32, #tpu.memory_space<vmem>>
      %dma_wait3A_73 = arith.constant 0 : i32
      %dma_wait3A_74 = arith.constant 0 : i32
      %dma_wait3A_75 = tpu.memref_slice %arg2[%dma_wait3A_73, %dma_wait3A_74] : memref<8192x4096xf32, #tpu.memory_space<hbm>> -> memref<8192x4096xf32, #tpu.memory_space<hbm>>
      tpu.wait_indirect_dma semaphore(%arg7 : memref<!tpu.dma_semaphore, #tpu.memory_space<semaphore_mem>>) src(%dma_wait3A_75 : memref<8192x4096xf32, #tpu.memory_space<hbm>>) dst(%dma_wait3A_69 : memref<8x4096xf32, #tpu.memory_space<vmem>>)
      %mul3A_76 = arith.constant 8 : i32
      %mul3A_77 = arith.muli %mul3A_62, %mul3A_76 : i32
      %add3A_78 = arith.addi %mul3A_2, %mul3A_77 : i32
      %dma_start3A_79 = arith.constant 0 : i32
      %dma_start3A_80 = arith.constant 0 : i32
      %dma_start3A_81 = arith.constant 0 : i32
      %dma_start3A_82 = tpu.memref_slice %arg6[%dma_start3A_79, %dma_start3A_80, %dma_start3A_81] : memref<2x8x4096xf32, #tpu.memory_space<vmem>> -> memref<1x8x4096xf32, #tpu.memory_space<vmem>>
      %dma_start3A_83 = tpu.memref_squeeze %dma_start3A_82 : memref<1x8x4096xf32, #tpu.memory_space<vmem>> -> memref<8x4096xf32, #tpu.memory_space<vmem>>
      %dma_start3A_84 = arith.constant 0 : i32
      %dma_start3A_85 = tpu.memref_slice %arg4[%add3A_78, %dma_start3A_84] : memref<8192x4096xf32, #tpu.memory_space<hbm>> -> memref<8x4096xf32, #tpu.memory_space<hbm>>
      %dma_start3A_86 = arith.constant 0 : i32
      %dma_start3A_87 = tpu.memref_slice %arg4[%add3A_78, %dma_start3A_86] : memref<8192x4096xf32, #tpu.memory_space<hbm>> -> memref<8x4096xf32, #tpu.memory_space<hbm>>
      %dma_start3A_88 = arith.constant 0 : i32
      %dma_start3A_89 = arith.constant 0 : i32
      %dma_start3A_90 = tpu.memref_slice %arg6[%dma_start3A_79, %dma_start3A_88, %dma_start3A_89] : memref<2x8x4096xf32, #tpu.memory_space<vmem>> -> memref<1x8x4096xf32, #tpu.memory_space<vmem>>
      %dma_start3A_91 = tpu.memref_squeeze %dma_start3A_90 : memref<1x8x4096xf32, #tpu.memory_space<vmem>> -> memref<8x4096xf32, #tpu.memory_space<vmem>>
      tpu.enqueue_dma source(%dma_start3A_91 : memref<8x4096xf32, #tpu.memory_space<vmem>>) target(%dma_start3A_87 : memref<8x4096xf32, #tpu.memory_space<hbm>>) target_semaphore(%arg9 : memref<!tpu.dma_semaphore, #tpu.memory_space<semaphore_mem>>)
      %dma_wait3A_92 = arith.constant 1 : i32
      %dma_wait3A_93 = arith.constant 0 : i32
      %dma_wait3A_94 = arith.constant 0 : i32
      %dma_wait3A_95 = tpu.memref_slice %arg6[%dma_wait3A_92, %dma_wait3A_93, %dma_wait3A_94] : memref<2x8x4096xf32, #tpu.memory_space<vmem>> -> memref<1x8x4096xf32, #tpu.memory_space<vmem>>
      %dma_wait3A_96 = tpu.memref_squeeze %dma_wait3A_95 : memref<1x8x4096xf32, #tpu.memory_space<vmem>> -> memref<8x4096xf32, #tpu.memory_space<vmem>>
      %dma_wait3A_97 = arith.constant 0 : i32
      %dma_wait3A_98 = tpu.memref_slice %arg5[%add3A_64, %dma_wait3A_97] : memref<32x8xi32, #tpu.memory_space<vmem>> -> memref<1x8xi32, #tpu.memory_space<vmem>>
      %dma_wait3A_99 = tpu.memref_squeeze %dma_wait3A_98 : memref<1x8xi32, #tpu.memory_space<vmem>> -> memref<8xi32, #tpu.memory_space<vmem>>
      %dma_wait3A_100 = arith.constant 0 : i32
      %dma_wait3A_101 = arith.constant 0 : i32
      %dma_wait3A_102 = tpu.memref_slice %arg2[%dma_wait3A_100, %dma_wait3A_101] : memref<8192x4096xf32, #tpu.memory_space<hbm>> -> memref<8192x4096xf32, #tpu.memory_space<hbm>>
      tpu.wait_indirect_dma semaphore(%arg8 : memref<!tpu.dma_semaphore, #tpu.memory_space<semaphore_mem>>) src(%dma_wait3A_102 : memref<8192x4096xf32, #tpu.memory_space<hbm>>) dst(%dma_wait3A_96 : memref<8x4096xf32, #tpu.memory_space<vmem>>)
      %mul3A_103 = arith.constant 8 : i32
      %mul3A_104 = arith.muli %add3A_64, %mul3A_103 : i32
      %add3A_105 = arith.addi %mul3A_2, %mul3A_104 : i32
      %dma_start3A_106 = arith.constant 1 : i32
      %dma_start3A_107 = arith.constant 0 : i32
      %dma_start3A_108 = arith.constant 0 : i32
      %dma_start3A_109 = tpu.memref_slice %arg6[%dma_start3A_106, %dma_start3A_107, %dma_start3A_108] : memref<2x8x4096xf32, #tpu.memory_space<vmem>> -> memref<1x8x4096xf32, #tpu.memory_space<vmem>>
      %dma_start3A_110 = tpu.memref_squeeze %dma_start3A_109 : memref<1x8x4096xf32, #tpu.memory_space<vmem>> -> memref<8x4096xf32, #tpu.memory_space<vmem>>
      %dma_start3A_111 = arith.constant 0 : i32
      %dma_start3A_112 = tpu.memref_slice %arg4[%add3A_105, %dma_start3A_111] : memref<8192x4096xf32, #tpu.memory_space<hbm>> -> memref<8x4096xf32, #tpu.memory_space<hbm>>
      %dma_start3A_113 = arith.constant 0 : i32
      %dma_start3A_114 = tpu.memref_slice %arg4[%add3A_105, %dma_start3A_113] : memref<8192x4096xf32, #tpu.memory_space<hbm>> -> memref<8x4096xf32, #tpu.memory_space<hbm>>
      %dma_start3A_115 = arith.constant 0 : i32
      %dma_start3A_116 = arith.constant 0 : i32
      %dma_start3A_117 = tpu.memref_slice %arg6[%dma_start3A_106, %dma_start3A_115, %dma_start3A_116] : memref<2x8x4096xf32, #tpu.memory_space<vmem>> -> memref<1x8x4096xf32, #tpu.memory_space<vmem>>
      %dma_start3A_118 = tpu.memref_squeeze %dma_start3A_117 : memref<1x8x4096xf32, #tpu.memory_space<vmem>> -> memref<8x4096xf32, #tpu.memory_space<vmem>>
      tpu.enqueue_dma source(%dma_start3A_118 : memref<8x4096xf32, #tpu.memory_space<vmem>>) target(%dma_start3A_114 : memref<8x4096xf32, #tpu.memory_space<hbm>>) target_semaphore(%arg10 : memref<!tpu.dma_semaphore, #tpu.memory_space<semaphore_mem>>)
      %add3A_119 = arith.constant 1 : i32
      %add3A_120 = arith.addi %scan3A_60, %add3A_119 : i32
      %lt3A = arith.constant 16 : i32
      %lt3A_121 = arith.cmpi slt, %add3A_120, %lt3A : i32
      %convert_element_type3A = arith.extui %lt3A_121 : i1 to i32
      %cond3A = arith.constant 0 : i32
      %cond3A_122 = arith.cmpi ne, %convert_element_type3A, %cond3A : i32
      scf.if %cond3A_122 {
        %mul3A_123 = arith.constant 8 : i32
        %mul3A_124 = arith.muli %mul3A_62, %mul3A_123 : i32
        %add3A_125 = arith.addi %mul3A_2, %mul3A_124 : i32
        %dma_wait3A_126 = arith.constant 0 : i32
        %dma_wait3A_127 = arith.constant 0 : i32
        %dma_wait3A_128 = arith.constant 0 : i32
        %dma_wait3A_129 = tpu.memref_slice %arg6[%dma_wait3A_126, %dma_wait3A_127, %dma_wait3A_128] : memref<2x8x4096xf32, #tpu.memory_space<vmem>> -> memref<1x8x4096xf32, #tpu.memory_space<vmem>>
        %dma_wait3A_130 = tpu.memref_squeeze %dma_wait3A_129 : memref<1x8x4096xf32, #tpu.memory_space<vmem>> -> memref<8x4096xf32, #tpu.memory_space<vmem>>
        %dma_wait3A_131 = arith.constant 0 : i32
        %dma_wait3A_132 = tpu.memref_slice %arg4[%add3A_125, %dma_wait3A_131] : memref<8192x4096xf32, #tpu.memory_space<hbm>> -> memref<8x4096xf32, #tpu.memory_space<hbm>>
        %dma_wait3A_133 = arith.constant 0 : i32
        %dma_wait3A_134 = tpu.memref_slice %arg4[%add3A_125, %dma_wait3A_133] : memref<8192x4096xf32, #tpu.memory_space<hbm>> -> memref<8x4096xf32, #tpu.memory_space<hbm>>
        %dma_wait3A_135 = arith.constant 0 : i32
        %dma_wait3A_136 = arith.constant 0 : i32
        %dma_wait3A_137 = tpu.memref_slice %arg6[%dma_wait3A_126, %dma_wait3A_135, %dma_wait3A_136] : memref<2x8x4096xf32, #tpu.memory_space<vmem>> -> memref<1x8x4096xf32, #tpu.memory_space<vmem>>
        %dma_wait3A_138 = tpu.memref_squeeze %dma_wait3A_137 : memref<1x8x4096xf32, #tpu.memory_space<vmem>> -> memref<8x4096xf32, #tpu.memory_space<vmem>>
        tpu.wait_dma2 semaphore(%arg9 : memref<!tpu.dma_semaphore, #tpu.memory_space<semaphore_mem>>) src(%dma_wait3A_138 : memref<8x4096xf32, #tpu.memory_space<vmem>>) dst(%dma_wait3A_134 : memref<8x4096xf32, #tpu.memory_space<hbm>>)
        %add3A_139 = arith.constant 2 : i32
        %add3A_140 = arith.addi %mul3A_62, %add3A_139 : i32
        %dma_start3A_141 = arith.constant 0 : i32
        %dma_start3A_142 = arith.constant 0 : i32
        %dma_start3A_143 = arith.constant 0 : i32
        %dma_start3A_144 = tpu.memref_slice %arg6[%dma_start3A_141, %dma_start3A_142, %dma_start3A_143] : memref<2x8x4096xf32, #tpu.memory_space<vmem>> -> memref<1x8x4096xf32, #tpu.memory_space<vmem>>
        %dma_start3A_145 = tpu.memref_squeeze %dma_start3A_144 : memref<1x8x4096xf32, #tpu.memory_space<vmem>> -> memref<8x4096xf32, #tpu.memory_space<vmem>>
        %dma_start3A_146 = arith.constant 0 : i32
        %dma_start3A_147 = tpu.memref_slice %arg5[%add3A_140, %dma_start3A_146] : memref<32x8xi32, #tpu.memory_space<vmem>> -> memref<1x8xi32, #tpu.memory_space<vmem>>
        %dma_start3A_148 = tpu.memref_squeeze %dma_start3A_147 : memref<1x8xi32, #tpu.memory_space<vmem>> -> memref<8xi32, #tpu.memory_space<vmem>>
        %dma_start3A_149 = arith.constant 0 : i32
        %dma_start3A_150 = arith.constant 0 : i32
        %dma_start3A_151 = tpu.memref_slice %arg2[%dma_start3A_149, %dma_start3A_150] : memref<8192x4096xf32, #tpu.memory_space<hbm>> -> memref<8192x4096xf32, #tpu.memory_space<hbm>>
        tpu.enqueue_indirect_dma source(%dma_start3A_151 : memref<8192x4096xf32, #tpu.memory_space<hbm>>) target(%dma_start3A_145 : memref<8x4096xf32, #tpu.memory_space<vmem>>) offsets(%dma_start3A_148 : memref<8xi32, #tpu.memory_space<vmem>>) semaphore(%arg7 : memref<!tpu.dma_semaphore, #tpu.memory_space<semaphore_mem>>)
        %mul3A_152 = arith.constant 8 : i32
        %mul3A_153 = arith.muli %add3A_64, %mul3A_152 : i32
        %add3A_154 = arith.addi %mul3A_2, %mul3A_153 : i32
        %dma_wait3A_155 = arith.constant 1 : i32
        %dma_wait3A_156 = arith.constant 0 : i32
        %dma_wait3A_157 = arith.constant 0 : i32
        %dma_wait3A_158 = tpu.memref_slice %arg6[%dma_wait3A_155, %dma_wait3A_156, %dma_wait3A_157] : memref<2x8x4096xf32, #tpu.memory_space<vmem>> -> memref<1x8x4096xf32, #tpu.memory_space<vmem>>
        %dma_wait3A_159 = tpu.memref_squeeze %dma_wait3A_158 : memref<1x8x4096xf32, #tpu.memory_space<vmem>> -> memref<8x4096xf32, #tpu.memory_space<vmem>>
        %dma_wait3A_160 = arith.constant 0 : i32
        %dma_wait3A_161 = tpu.memref_slice %arg4[%add3A_154, %dma_wait3A_160] : memref<8192x4096xf32, #tpu.memory_space<hbm>> -> memref<8x4096xf32, #tpu.memory_space<hbm>>
        %dma_wait3A_162 = arith.constant 0 : i32
        %dma_wait3A_163 = tpu.memref_slice %arg4[%add3A_154, %dma_wait3A_162] : memref<8192x4096xf32, #tpu.memory_space<hbm>> -> memref<8x4096xf32, #tpu.memory_space<hbm>>
        %dma_wait3A_164 = arith.constant 0 : i32
        %dma_wait3A_165 = arith.constant 0 : i32
        %dma_wait3A_166 = tpu.memref_slice %arg6[%dma_wait3A_155, %dma_wait3A_164, %dma_wait3A_165] : memref<2x8x4096xf32, #tpu.memory_space<vmem>> -> memref<1x8x4096xf32, #tpu.memory_space<vmem>>
        %dma_wait3A_167 = tpu.memref_squeeze %dma_wait3A_166 : memref<1x8x4096xf32, #tpu.memory_space<vmem>> -> memref<8x4096xf32, #tpu.memory_space<vmem>>
        tpu.wait_dma2 semaphore(%arg10 : memref<!tpu.dma_semaphore, #tpu.memory_space<semaphore_mem>>) src(%dma_wait3A_167 : memref<8x4096xf32, #tpu.memory_space<vmem>>) dst(%dma_wait3A_163 : memref<8x4096xf32, #tpu.memory_space<hbm>>)
        %add3A_168 = arith.constant 2 : i32
        %add3A_169 = arith.addi %add3A_64, %add3A_168 : i32
        %dma_start3A_170 = arith.constant 1 : i32
        %dma_start3A_171 = arith.constant 0 : i32
        %dma_start3A_172 = arith.constant 0 : i32
        %dma_start3A_173 = tpu.memref_slice %arg6[%dma_start3A_170, %dma_start3A_171, %dma_start3A_172] : memref<2x8x4096xf32, #tpu.memory_space<vmem>> -> memref<1x8x4096xf32, #tpu.memory_space<vmem>>
        %dma_start3A_174 = tpu.memref_squeeze %dma_start3A_173 : memref<1x8x4096xf32, #tpu.memory_space<vmem>> -> memref<8x4096xf32, #tpu.memory_space<vmem>>
        %dma_start3A_175 = arith.constant 0 : i32
        %dma_start3A_176 = tpu.memref_slice %arg5[%add3A_169, %dma_start3A_175] : memref<32x8xi32, #tpu.memory_space<vmem>> -> memref<1x8xi32, #tpu.memory_space<vmem>>
        %dma_start3A_177 = tpu.memref_squeeze %dma_start3A_176 : memref<1x8xi32, #tpu.memory_space<vmem>> -> memref<8xi32, #tpu.memory_space<vmem>>
        %dma_start3A_178 = arith.constant 0 : i32
        %dma_start3A_179 = arith.constant 0 : i32
        %dma_start3A_180 = tpu.memref_slice %arg2[%dma_start3A_178, %dma_start3A_179] : memref<8192x4096xf32, #tpu.memory_space<hbm>> -> memref<8192x4096xf32, #tpu.memory_space<hbm>>
        tpu.enqueue_indirect_dma source(%dma_start3A_180 : memref<8192x4096xf32, #tpu.memory_space<hbm>>) target(%dma_start3A_174 : memref<8x4096xf32, #tpu.memory_space<vmem>>) offsets(%dma_start3A_177 : memref<8xi32, #tpu.memory_space<vmem>>) semaphore(%arg8 : memref<!tpu.dma_semaphore, #tpu.memory_space<semaphore_mem>>)
      } else {
      }
    }
    %scan3A_30 = arith.constant 16 : i32
    %add3A_31 = arith.constant 240 : i32
    %add3A_32 = arith.addi %mul3A_2, %add3A_31 : i32
    %dma_wait3A = arith.constant 0 : i32
    %dma_wait3A_33 = arith.constant 0 : i32
    %dma_wait3A_34 = arith.constant 0 : i32
    %dma_wait3A_35 = tpu.memref_slice %arg6[%dma_wait3A, %dma_wait3A_33, %dma_wait3A_34] : memref<2x8x4096xf32, #tpu.memory_space<vmem>> -> memref<1x8x4096xf32, #tpu.memory_space<vmem>>
    %dma_wait3A_36 = tpu.memref_squeeze %dma_wait3A_35 : memref<1x8x4096xf32, #tpu.memory_space<vmem>> -> memref<8x4096xf32, #tpu.memory_space<vmem>>
    %dma_wait3A_37 = arith.constant 0 : i32
    %dma_wait3A_38 = tpu.memref_slice %arg4[%add3A_32, %dma_wait3A_37] : memref<8192x4096xf32, #tpu.memory_space<hbm>> -> memref<8x4096xf32, #tpu.memory_space<hbm>>
    %dma_wait3A_39 = arith.constant 0 : i32
    %dma_wait3A_40 = tpu.memref_slice %arg4[%add3A_32, %dma_wait3A_39] : memref<8192x4096xf32, #tpu.memory_space<hbm>> -> memref<8x4096xf32, #tpu.memory_space<hbm>>
    %dma_wait3A_41 = arith.constant 0 : i32
    %dma_wait3A_42 = arith.constant 0 : i32
    %dma_wait3A_43 = tpu.memref_slice %arg6[%dma_wait3A, %dma_wait3A_41, %dma_wait3A_42] : memref<2x8x4096xf32, #tpu.memory_space<vmem>> -> memref<1x8x4096xf32, #tpu.memory_space<vmem>>
    %dma_wait3A_44 = tpu.memref_squeeze %dma_wait3A_43 : memref<1x8x4096xf32, #tpu.memory_space<vmem>> -> memref<8x4096xf32, #tpu.memory_space<vmem>>
    tpu.wait_dma2 semaphore(%arg9 : memref<!tpu.dma_semaphore, #tpu.memory_space<semaphore_mem>>) src(%dma_wait3A_44 : memref<8x4096xf32, #tpu.memory_space<vmem>>) dst(%dma_wait3A_40 : memref<8x4096xf32, #tpu.memory_space<hbm>>)
    %add3A_45 = arith.constant 248 : i32
    %add3A_46 = arith.addi %mul3A_2, %add3A_45 : i32
    %dma_wait3A_47 = arith.constant 1 : i32
    %dma_wait3A_48 = arith.constant 0 : i32
    %dma_wait3A_49 = arith.constant 0 : i32
    %dma_wait3A_50 = tpu.memref_slice %arg6[%dma_wait3A_47, %dma_wait3A_48, %dma_wait3A_49] : memref<2x8x4096xf32, #tpu.memory_space<vmem>> -> memref<1x8x4096xf32, #tpu.memory_space<vmem>>
    %dma_wait3A_51 = tpu.memref_squeeze %dma_wait3A_50 : memref<1x8x4096xf32, #tpu.memory_space<vmem>> -> memref<8x4096xf32, #tpu.memory_space<vmem>>
    %dma_wait3A_52 = arith.constant 0 : i32
    %dma_wait3A_53 = tpu.memref_slice %arg4[%add3A_46, %dma_wait3A_52] : memref<8192x4096xf32, #tpu.memory_space<hbm>> -> memref<8x4096xf32, #tpu.memory_space<hbm>>
    %dma_wait3A_54 = arith.constant 0 : i32
    %dma_wait3A_55 = tpu.memref_slice %arg4[%add3A_46, %dma_wait3A_54] : memref<8192x4096xf32, #tpu.memory_space<hbm>> -> memref<8x4096xf32, #tpu.memory_space<hbm>>
    %dma_wait3A_56 = arith.constant 0 : i32
    %dma_wait3A_57 = arith.constant 0 : i32
    %dma_wait3A_58 = tpu.memref_slice %arg6[%dma_wait3A_47, %dma_wait3A_56, %dma_wait3A_57] : memref<2x8x4096xf32, #tpu.memory_space<vmem>> -> memref<1x8x4096xf32, #tpu.memory_space<vmem>>
    %dma_wait3A_59 = tpu.memref_squeeze %dma_wait3A_58 : memref<1x8x4096xf32, #tpu.memory_space<vmem>> -> memref<8x4096xf32, #tpu.memory_space<vmem>>
    tpu.wait_dma2 semaphore(%arg10 : memref<!tpu.dma_semaphore, #tpu.memory_space<semaphore_mem>>) src(%dma_wait3A_59 : memref<8x4096xf32, #tpu.memory_space<vmem>>) dst(%dma_wait3A_55 : memref<8x4096xf32, #tpu.memory_space<hbm>>)
    return
  }
}

module attributes {stable_mosaic.version = 14 : i64} {
  func.func @_sample_body(%arg0: i32, %arg1: memref<1x64xf32, #tpu.memory_space<vmem>>, %arg2: memref<512x64xf32, #tpu.memory_space<vmem>>, %arg3: memref<512x1xi32, #tpu.memory_space<vmem>>) attributes {dimension_semantics = [#tpu.dimension_semantics<arbitrary>], iteration_bounds = array<i64: 16>, scalar_prefetch = 0 : i64, scratch_operands = 0 : i64, tpu.core_type = #tpu.core_type<tc>, window_params = [{pipeline_mode = #tpu.pipeline_mode<synchronous>, transform_indices = @transform_0, window_bounds = array<i64: 1, 64>}, {transform_indices = @transform_1, window_bounds = array<i64: 512, 64>}, {transform_indices = @transform_2, window_bounds = array<i64: 512, 1>}]} {
    %get3A = arith.constant 0 : index
    %get3A_0 = arith.constant 0 : index
    %get3A_1 = vector.load %arg2[%get3A, %get3A_0] : memref<512x64xf32, #tpu.memory_space<vmem>>, vector<512x64xf32>
    %get3A_2 = arith.constant 0 : index
    %get3A_3 = arith.constant 0 : index
    %get3A_4 = vector.load %arg1[%get3A_2, %get3A_3] : memref<1x64xf32, #tpu.memory_space<vmem>>, vector<1x64xf32>
    %add3A = vector.broadcast %get3A_4 : vector<1x64xf32> to vector<512x64xf32>
    %add3A_5 = arith.addf %get3A_1, %add3A : vector<512x64xf32>
    %reduce_max3A = arith.constant dense<0xFF800000> : vector<512xf32>
    %reduce_max3A_6 = vector.multi_reduction <maximumf>, %add3A_5, %reduce_max3A [1] : vector<512x64xf32> to vector<512xf32>
    %broadcast_in_dim3A = vector.shape_cast %reduce_max3A_6 : vector<512xf32> to vector<512x1xf32>
    %iota3A = tpu.iota {dimensions = array<i32: 1>} : vector<512x64xi32>
    %eq3A = vector.broadcast %broadcast_in_dim3A : vector<512x1xf32> to vector<512x64xf32>
    %eq3A_7 = arith.cmpf oeq, %add3A_5, %eq3A : vector<512x64xf32>
    %jit3A = arith.constant 64 : i32
    %broadcast_in_dim3A_8 = vector.broadcast %jit3A : i32 to vector<512x64xi32>
    %select_n3A = arith.select %eq3A_7, %iota3A, %broadcast_in_dim3A_8 : vector<512x64xi1>, vector<512x64xi32>
    %reduce_min3A = arith.constant dense<2147483647> : vector<512xi32>
    %reduce_min3A_9 = vector.multi_reduction <minsi>, %select_n3A, %reduce_min3A [1] : vector<512x64xi32> to vector<512xi32>
    %broadcast_in_dim3A_10 = vector.shape_cast %reduce_min3A_9 : vector<512xi32> to vector<512x1xi32>
    %mul3A = arith.constant 512 : i32
    %mul3A_11 = arith.muli %arg0, %mul3A : i32
    %iota3A_12 = tpu.iota {dimensions = array<i32: 0>} : vector<512x1xi32>
    %add3A_13 = vector.broadcast %mul3A_11 : i32 to vector<512x1xi32>
    %add3A_14 = arith.addi %add3A_13, %iota3A_12 : vector<512x1xi32>
    %jit3A_15 = arith.constant 64 : i32
    %div3A = vector.broadcast %jit3A_15 : i32 to vector<512x1xi32>
    %div3A_16 = arith.divsi %add3A_14, %div3A : vector<512x1xi32>
    %sign3A = arith.constant 0 : i32
    %sign3A_17 = vector.broadcast %sign3A : i32 to vector<512x1xi32>
    %sign3A_18 = arith.cmpi sgt, %add3A_14, %sign3A_17 : vector<512x1xi32>
    %sign3A_19 = arith.extui %sign3A_18 : vector<512x1xi1> to vector<512x1xi32>
    %sign3A_20 = arith.constant 0 : i32
    %sign3A_21 = vector.broadcast %sign3A_20 : i32 to vector<512x1xi32>
    %sign3A_22 = arith.cmpi slt, %add3A_14, %sign3A_21 : vector<512x1xi32>
    %sign3A_23 = arith.extui %sign3A_22 : vector<512x1xi1> to vector<512x1xi32>
    %sign3A_24 = arith.subi %sign3A_19, %sign3A_23 : vector<512x1xi32>
    %sign3A_25 = arith.constant 0 : i32
    %sign3A_26 = arith.cmpi sgt, %jit3A_15, %sign3A_25 : i32
    %sign3A_27 = arith.extui %sign3A_26 : i1 to i32
    %sign3A_28 = arith.constant 0 : i32
    %sign3A_29 = arith.cmpi slt, %jit3A_15, %sign3A_28 : i32
    %sign3A_30 = arith.extui %sign3A_29 : i1 to i32
    %sign3A_31 = arith.subi %sign3A_27, %sign3A_30 : i32
    %ne3A = vector.broadcast %sign3A_31 : i32 to vector<512x1xi32>
    %ne3A_32 = arith.cmpi ne, %sign3A_24, %ne3A : vector<512x1xi32>
    %rem3A = vector.broadcast %jit3A_15 : i32 to vector<512x1xi32>
    %rem3A_33 = arith.remsi %add3A_14, %rem3A : vector<512x1xi32>
    %ne3A_34 = arith.constant 0 : i32
    %ne3A_35 = vector.broadcast %ne3A_34 : i32 to vector<512x1xi32>
    %ne3A_36 = arith.cmpi ne, %rem3A_33, %ne3A_35 : vector<512x1xi32>
    %and3A = arith.andi %ne3A_32, %ne3A_36 : vector<512x1xi1>
    %sub3A = arith.constant 1 : i32
    %sub3A_37 = vector.broadcast %sub3A : i32 to vector<512x1xi32>
    %sub3A_38 = arith.subi %div3A_16, %sub3A_37 : vector<512x1xi32>
    %select_n3A_39 = arith.select %and3A, %sub3A_38, %div3A_16 : vector<512x1xi1>, vector<512x1xi32>
    %mul3A_40 = arith.constant 64 : i32
    %mul3A_41 = vector.broadcast %mul3A_40 : i32 to vector<512x1xi32>
    %mul3A_42 = arith.muli %select_n3A_39, %mul3A_41 : vector<512x1xi32>
    %add3A_43 = arith.addi %mul3A_42, %broadcast_in_dim3A_10 : vector<512x1xi32>
    %swap3A = arith.constant 0 : index
    %swap3A_44 = arith.constant 0 : index
    %swap3A_45 = vector.load %arg3[%swap3A, %swap3A_44] : memref<512x1xi32, #tpu.memory_space<vmem>>, vector<512x1xi32>
    tpu.vector_store %arg3[%swap3A, %swap3A_44], %add3A_43 {strides = array<i32>} : memref<512x1xi32, #tpu.memory_space<vmem>>, vector<512x1xi32>,
    return
  }
  func.func @transform_0(%arg0: i32) -> (i32, i32) {
    %c0_i32 = arith.constant 0 : i32
    %c0_i32_0 = arith.constant 0 : i32
    %c0_i32_1 = arith.constant 0 : i32
    return %c0_i32, %c0_i32_0 : i32, i32
  }
  func.func @transform_1(%arg0: i32) -> (i32, i32) {
    %c0_i32 = arith.constant 0 : i32
    %c0_i32_0 = arith.constant 0 : i32
    return %arg0, %c0_i32 : i32, i32
  }
  func.func @transform_2(%arg0: i32) -> (i32, i32) {
    %c0_i32 = arith.constant 0 : i32
    %c0_i32_0 = arith.constant 0 : i32
    return %arg0, %c0_i32 : i32, i32
  }
}

</mosaic_0001>

<sc_bundles>
// kernel: kernel.6.cloned.1.call-start
scs
__scs_entry_jumppad:
0x0: {  	(pc) =	sbr.rel $0x88, $3  }
0x1: {  	(tag) =	ssettag $0x0;
	lr =	simm.s32 $0x1  }
0x2: {  	[smem:$0x3F9F] =	sst lr;
	_ =	strace $0xD0000000  }
0x3: {  	_ = 	snop  }
0x4: {  	_ = 	snop  }
0x5: {  	_ = 	snop  }
0x6: {  	_ = 	snop  }
0x7: {  	_ = 	snop  }
__scs_overlays_trampoline_lowered:
0x8: {  	[smem:$0x3FAE] =	sst s0  }
0x9: {  	[smem:$0x3FAF] =	sst s1  }
0xa: {  	[smem:$0x3FB0] =	sst s2  }
0xb: {  	[smem:$0x3FB1] =	sst s3  }
0xc: {  	[smem:$0x3FB2] =	sst s4  }
0xd: {  	[smem:$0x3FB3] =	sst s5  }
0xe: {  	[smem:$0x3FB4] =	sst s6  }
0xf: {  	[smem:$0x3FB5] =	sst s7  }
0x10: {  	[smem:$0x3FB6] =	sst s8  }
0x11: {  	[smem:$0x3FB7] =	sst s9;
	s0 =	simm.s32 @!p0 $0x0  }
0x12: {  	s1 =	sld [smem:$0x3F9D];
	s0 =	simm.s32 @p0 $0x1  }
0x13: {  	[smem:$0x3FB8] =	sst s0;
	s0 =	simm.s32 @!p1 $0x0  }
0x14: {  	s2 =	sld [smem:$0x3F9C];
	s0 =	simm.s32 @p1 $0x1  }
0x15: {  	[smem:$0x3FB9] =	sst s0;
	s0 =	simm.s32 @!p2 $0x0  }
0x16: {  	s3 =	sld [smem:$0x3FDB];
	s0 =	simm.s32 @p2 $0x1  }
0x17: {  	s4 =	simm.s32 $0x1BF5;
	[smem:$0x3FBB] =	sst s0  }
0x18: {  	s0 =	sld [smem:$0x3F9E];
	_ =	swait.ge [sflag:s4], $0x0  }
0x19: {  	s7 =	sld [smem:$0x3F9F]  }
0x1a: {  	s8 =	sadd.s32 $0xFFFFE003, lr  }
0x1b: {  	s9 =	sadd.s32 $0xFFFFFEF7, lr;
	s5 =	simm.s32 $0xFFFFFFFF;
	p2 =	slt.u32 s8, $0xFFFFF086  }
0x1c: {  	p1 =	slt.u32 s9, $0xF7A;
	s5 =	simm.s32 @!p2 $0x0  }
0x1d: {  	s5 =	simm.s32 @p1 $0x1;
	p0 =	seq.s32 s7, s2  }
0x1e: {  	s7 =	smul.u32 @!p0 $0xF7A, s2;
	p2 =	seq.s32 @!p0 s5, $0x0  }
0x1f: {  	s9 =	smul.u32 $0xF7A, s1;
	s8 =	simm.s32 @!p0 $0x1BF5;
	p2 =	por !p2, p0  }
0x20: {  	[sflag:s8] =	ssyncset.s32 @!p0 $0xFFFFF086;
	s6 =	sadd.s32 @!p0 s3, s7;
	s7 =	simm.s32 @!p0 $0x108  }
0x21: {  	s3 =	sadd.s32 s3, s9;
	s6 =	sadd.s32 @!p0 $0x88, s6;
	s7 =	simm.s32 @p2 $0x1082  }
0x22: {  	[simem:s7], [sflag:s8] =	dma.local @!p0 [hbm:s6], $0xF7A  }
0x23: {  	s9 =	sor.u32 $0xD0000000, s2;
	s6 =	simm.s32 $0x108;
	_ =	swait.ge @!p0 [sflag:s8], $0x0  }
0x24: {  	s3 =	sadd.s32 $0x88, s3;
	s6 =	simm.s32 @!p1 $0x1082;
	[sflag:s4] =	ssyncset.s32 $0xFFFFF086  }
0x25: {  	[simem:s6], [sflag:s4] =	dma.local [hbm:s3], $0xF7A  }
0x26: {  	[smem:$0x3F9F] =	sst s1;
	(tag) =	ssettag s2;
	_ =	strace s9  }
0x27: {  	s1 =	sld [smem:$0x3FAF]  }
0x28: {  	s2 =	sld [smem:$0x3FB0]  }
0x29: {  	s4 =	sld [smem:$0x3FB2]  }
0x2a: {  	p0 =	seq.s32 s5, $0x0;
	s5 =	sld [smem:$0x3FB3]  }
0x2b: {  	s6 =	sld [smem:$0x3FB4]  }
0x2c: {  	s7 =	sld [smem:$0x3FB5]  }
0x2d: {  	s3 =	simm.s32 $0x108;
	s8 =	sld [smem:$0x3FB6]  }
0x2e: {  	s3 =	simm.s32 @!p0 $0x1082;
	s9 =	sld [smem:$0x3FB7]  }
0x2f: {  	lr =	sadd.s32 s0, s3;
	s0 =	sld [smem:$0x3FAE]  }
0x30: {  	s3 =	sld [smem:$0x3FB1]  }
0x31: {  	[smem:$0x3FBA] =	sst s10  }
0x32: {  	s10 =	sld [smem:$0x3FB8];
	_ =	sdelay $0x3  }
0x33: {  	p0 =	seq.s32 s10, $0x1;
	s10 =	sld [smem:$0x3FBA];
	_ =	sdelay $0x3  }
0x34: {  	[smem:$0x3FBA] =	sst s10  }
0x35: {  	s10 =	sld [smem:$0x3FB9];
	_ =	sdelay $0x3  }
0x36: {  	p1 =	seq.s32 s10, $0x1;
	s10 =	sld [smem:$0x3FBA];
	_ =	sdelay $0x3  }
0x37: {  	[smem:$0x3FBA] =	sst s10  }
0x38: {  	s10 =	sld [smem:$0x3FBB]  }
0x39: {  	_ = 	snop;
	(pc) =	sbr.ind lr, $3  }
0x3a: {  	_ = 	snop  }
0x3b: {  	_ = 	snop  }
0x3c: {  	p2 =	seq.s32 s10, $0x1;
	s10 =	sld [smem:$0x3FBA]  }
0x3d: {  	_ =	shalt  }
0x3e: {  	_ =	shalt  }
0x3f: {  	_ =	shalt  }
0x40: {  	_ =	shalt  }
0x41: {  	_ =	shalt  }
0x42: {  	_ =	shalt  }
0x43: {  	_ =	shalt  }
0x44: {  	_ =	shalt  }
0x45: {  	_ =	shalt  }
0x46: {  	_ =	shalt  }
0x47: {  	_ =	shalt  }
0x48: {  	_ =	shalt  }
0x49: {  	_ =	shalt  }
0x4a: {  	_ =	shalt  }
0x4b: {  	_ =	shalt  }
0x4c: {  	_ =	shalt  }
0x4d: {  	_ =	shalt  }
0x4e: {  	_ =	shalt  }
0x4f: {  	_ =	shalt  }
0x50: {  	_ =	shalt  }
0x51: {  	_ =	shalt  }
0x52: {  	_ =	shalt  }
0x53: {  	_ =	shalt  }
0x54: {  	_ =	shalt  }
0x55: {  	_ =	shalt  }
0x56: {  	_ =	shalt  }
0x57: {  	_ =	shalt  }
0x58: {  	_ =	shalt  }
0x59: {  	_ =	shalt  }
0x5a: {  	_ =	shalt  }
0x5b: {  	_ =	shalt  }
0x5c: {  	_ =	shalt  }
0x5d: {  	_ =	shalt  }
0x5e: {  	_ =	shalt  }
0x5f: {  	_ =	shalt  }
0x60: {  	_ =	shalt  }
0x61: {  	_ =	shalt  }
0x62: {  	_ =	shalt  }
0x63: {  	_ =	shalt  }
0x64: {  	_ =	shalt  }
0x65: {  	_ =	shalt  }
0x66: {  	_ =	shalt  }
0x67: {  	_ =	shalt  }
0x68: {  	_ =	shalt  }
0x69: {  	_ =	shalt  }
0x6a: {  	_ =	shalt  }
0x6b: {  	_ =	shalt  }
0x6c: {  	_ =	shalt  }
0x6d: {  	_ =	shalt  }
0x6e: {  	_ =	shalt  }
0x6f: {  	_ =	shalt  }
0x70: {  	_ =	shalt  }
0x71: {  	_ =	shalt  }
0x72: {  	_ =	shalt  }
0x73: {  	_ =	shalt  }
0x74: {  	_ =	shalt  }
0x75: {  	_ =	shalt  }
0x76: {  	_ =	shalt  }
0x77: {  	_ =	shalt  }
0x78: {  	_ =	shalt  }
0x79: {  	_ =	shalt  }
0x7a: {  	_ =	shalt  }
0x7b: {  	_ =	shalt  }
0x7c: {  	_ =	shalt  }
0x7d: {  	_ =	shalt  }
0x7e: {  	_ =	shalt  }
0x7f: {  	_ =	shalt  }
0x80: {  	_ =	shalt  }
0x81: {  	_ =	shalt  }
0x82: {  	_ =	shalt  }
0x83: {  	_ =	shalt  }
0x84: {  	_ =	shalt  }
0x85: {  	_ =	shalt  }
0x86: {  	_ =	shalt  }
0x87: {  	_ =	shalt  }
.Lfunc_end0:
.L_simem_size_0:
called_computation_lowered:
.L_overlay_start_0:
0x88: {  	s2 =	sld [smem:$0x3FD9]  }
0x89: {  	s3 =	sld [smem:$0x3FFE];
	_ =	sdelay $0x1  }
0x8a: {  	s1 =	srdreg.scid  }
0x8b: {  	s0 =	sand.u32 $0x1, s1  }
0x8c: {  	s17 =	sshll.u32 s0, $0xA;
	s2 =	sadd.s32 s3, s2  }
0x8d: {  	s2 =	sadd.s32 s2, s17  }
0x8e: {  	[smem:$0x3FC6] =	sst s2  }
0x8f: {  	_ = 	snop  }
0x90: {  	s2 =	sld [smem:$0x3FC9]  }
0x91: {  	s18 =	sld [smem:$0x3FD0];
	(tm) =	ssettm $0x1  }
0x92: {  	s4 =	sld [smem:$0x3FFB];
	_ =	sdelay $0x3  }
0x93: {  	_ =	strace s4  }
0x94: {  	s4 =	sld [smem:$0x3FFC];
	_ =	sdelay $0x3  }
0x95: {  	_ =	strace s4  }
0x96: {  	s4 =	sld [smem:$0x3FFD];
	_ =	sdelay $0x3  }
0x97: {  	_ =	strace s4  }
0x98: {  	_ =	strace $0x8FFFFFFF  }
0x99: {  	s19 =	sld [smem:$0x3FDB];
	_ =	sdelay $0x1  }
0x9a: {  	s5 =	simm.s32 $_scs_section_size  }
0x9b: {  	s6 =	simm.s32 $_size__tile_overlayer_lowered;
	s7 =	simm.s32 $_tile_overlayer_lowered  }
0x9c: {  	s22 =	simm.s32 $0x1BFF;
	s21 =	sshll.u32 s7, $0x1;
	s4 =	sadd.s32 s5, s19  }
0x9d: {  	s8 =	simm.s32 $0x0;
	s20 =	sshll.u32 s6, $0x1;
	s6 =	sadd.s32 s21, s4  }
0x9e: {  	[timem:s8], [sflag:s22] =	dma.local [hbm:s6], s20  }
0x9f: {  	_ =	swait.ge [sflag:s22], s20  }
0xa0: {  	s5 =	ssub.s32 $0x0, s20;
	[sflag:s22] =	ssyncset.done $0x0  }
0xa1: {  	[sflag:s22] =	ssyncadd.s32 s5;
	_ =	sdelay $0x1  }
0xa2: {  	s23 =	simm.s32 $0x1B8B  }
0xa3: {  	_ =	swait.ge [sflag:s23], $0x1  }
0xa4: {  	[sflag:s23] =	ssyncset.done $0x0  }
0xa5: {  	s25 =	simm.s32 $0x1B8E;
	s24 =	sld [smem:$0x3FFE];
	[sflag:s23] =	ssyncadd.s32 $0xFFFFFFFF  }
0xa6: {  	s26 =	simm.s32 $execute0_lowered;
	[smem:$0x3FD2] =	sst s25  }
0xa7: {  	s6 =	sshll.u32 s26, $0x1;
	_ =	strace $0x80000046;
	[dreg:$0x1] =	wrdreg $0xFFFFFFFF  }
0xa8: {  	s28 =	simm.s32 $_size_execute0_lowered;
	s4 =	sadd.s32 s4, s6;
	[dreg:$0x0] =	wrdreg $0x0  }
0xa9: {  	s6 =	sshll.u32 s28, $0x1;
	[dreg:$0x2] =	wrdreg s4  }
0xaa: {  	[dreg:$0x3] =	wrdreg s6  }
0xab: {  	[dreg:$0x4] =	wrdreg $0xC0  }
0xac: {  	_ =	task [dreg:s8], $0x5FFFF  }
0xad: {  	[dreg:$0x1] =	wrdreg $0xFFFFFFFF  }
0xae: {  	[dreg:$0x0] =	wrdreg $0x60  }
0xaf: {  	[dreg:$0x2] =	wrdreg s2  }
0xb0: {  	[dreg:$0x3] =	wrdreg s24  }
0xb1: {  	[dreg:$0x4] =	wrdreg s18  }
0xb2: {  	[dreg:$0x5] =	wrdreg $0x9  }
0xb3: {  	_ =	task.clear_ibuf [dreg:s8], $0x6FFFF;
	_ =	strace $0x90000046  }
0xb4: {  	s29 =	simm.s32 $0x9;
	_ =	strace $0x80000048  }
0xb5: {  	_ =	swait.ge [sflag:s29], $0x1  }
0xb6: {  	[sflag:s29] =	ssyncadd.s32 $0xFFFFFFFF  }
0xb7: {  	_ =	strace $0x90000048  }
0xb8: {  	_ =	sfence  }
0xb9: {  	s30 =	sld [smem:$0x0];
	_ =	sdelay $0x2  }
0xba: {  	s31 =	sshll.u32 s1, $0xD;
	s1 =	sshrl.u32 s1, $0x2  }
0xbb: {  	s3 =	sand.u32 $0x4000, s31;
	s1 =	sadd.s32 s1, s30  }
0xbc: {  	s0 =	sor.u32 s3, s0;
	s1 =	sshll.u32 s1, $0x11  }
0xbd: {  	s0 =	sor.u32 s1, s0  }
0xbe: {  	s0 =	sadd.s32 $0x8F2B, s0  }
0xbf: {  	[sflag:s0] =	ssyncadd.remote.s32 $0x1  }
0xc0: {  	_ =	sfence.sel $0xFFFF  }
0xc1: {  	[dreg:$0x0] =	wrdreg $0xFFFFFFFF;
	(pc) =	sbr.abs _section_cstart, $3  }
0xc2: {  	[dreg:$0x1] =	wrdreg $0xFFFFFFFF  }
0xc3: {  	_ =	task.clear_ibuf [dreg:s8], $0x2FFFF;
	_ =	strace $0x9FFFFFFF  }
0xc4: {  	(tm) =	ssettm $0x7FFFFFFF  }
0xc5: {  	_ =	shalt  }
tec
execute0_lowered:
.L_overlay_start_1:
0x0: {  	(tag) =	ssettag $0x1  }
0x1: {  	s1 =	rddreg [dreg:$0x0]  }
0x2: {  	s0 =	rddreg [dreg:$0x1]  }
0x3: {  	s2 =	rddreg [dreg:$0x2];
	s3 =	simm.s32 $0x0;
	s4 =	srdreg.scid  }
0x4: {  	s21 =	stileid.u32;
	s23 =	simm.s32 $0x1000;
	s28 =	simm.s32 $0x9000  }
0x5: {  	s29 =	simm.s32 $0xF000;
	s30 =	simm.s32 $0xF800;
	s31 =	simm.s32 $0x10000  }
0x6: {  	s22 =	simm.s32 $0x4;
	[smem:$0x7FF] =	sst s3;
	s4 =	sand.u32 $0x1, s4  }
0x7: {  	s6 =	sshll.u32 s21, $0xA;
	s9 =	sadd.s32 $0x500, s1;
	s10 =	sadd.s32 $0x600, s1  }
0x8: {  	s11 =	sadd.s32 $0x700, s1;
	s12 =	sadd.s32 $0x800, s1;
	s13 =	sadd.s32 $0x900, s1  }
0x9: {  	s14 =	sadd.s32 $0xA00, s1;
	s15 =	sadd.s32 $0xB00, s1;
	s16 =	sadd.s32 $0xC00, s1  }
0xa: {  	s17 =	sadd.s32 $0xD00, s1;
	s18 =	sadd.s32 $0xE00, s1;
	s19 =	sadd.s32 $0xF00, s1  }
0xb: {  	s25 =	sshll.u32 s21, $0x12;
	s5 =	ssub.s32 $0x2, s4;
	s7 =	sshll.u32 s4, $0x9  }
0xc: {  	_ =	strace $0x80000047;
	s26 =	sshll.u32 s4, $0x11;
	s4 =	simm.s32 $0x2  }
0xd: {  	s8 =	sshrl.u32 s5, $0x1;
	s6 =	sor.u32 s7, s6;
	s7 =	sadd.s32 $0x300, s1  }
.Ltmp0:
0xe: {  	s20 =	ssub.s32 s5, s8;
	s0 =	sadd.s32 s0, s6;
	(pc) =	sbr.rel .LBB2_1-.Ltmp0, $4  }
0xf: {  	s5 =	sadd.s32 $0x100, s1;
	s6 =	sadd.s32 $0x200, s1;
	s8 =	sadd.s32 $0x400, s1  }
0x10: {  	v0 =	vlaneseq.u32;
	[dreg:$0x4] =	wrdreg s0;
	s20 =	smax.u32 s20, $0x1;
	s0 =	sadd.s32 s25, s2  }
0x11: {  	v1 =	vshrl.u32 v0, $0x3;
	s2 =	simm.s32 $0x1;
	s25 =	simm.s32 $0x0;
	[dreg:$0x5] =	wrdreg s20  }
0x12: {  	vm0 =	vmmov $0xffff;
	v0 =	vand.u32 $0x7, v0;
	v1 =	vmul.u32 $0x8, v1;
	s21 =	sadd.s32 s26, s0;
	s0 =	simm.s32 $0x10800;
	s20 =	simm.s32 $0x3  }
.LBB2_4:
0x13: {  	_ =	swait.ge [sflag:s20], $0x8000  }
0x14: {  	[sflag:s20] =	ssyncset.done $0x0  }
0x15: {  	[sflag:s20] =	ssyncadd.s32 $0xFFFF8000  }
0x16: {  	_ =	swait.ge [sflag:s22], $0x8000  }
0x17: {  	s25 =	rddreg [dreg:$0x6]  }
0x18: {  	s24 =	rddreg [dreg:$0x5];
	s25 =	sadd.s32 $0x1, s25  }
0x19: {  	p0 =	sne.s32 s25, s24  }
.Ltmp1:
0x1a: {  	_ = 	snop;
	(pc) =	sbr.rel @!p0 .LBB2_5-.Ltmp1, $3  }
0x1b: {  	_ =	sdelay $0x1  }
0x1c: {  	[sflag:s22] =	ssyncset.done $0x0  }
0x1d: {  	[sflag:s22] =	ssyncadd.s32 $0xFFFF8000  }
.LBB2_1:
0x1e: {  	[dreg:$0x6] =	wrdreg s25  }
0x1f: {  	s24 =	rddreg [dreg:$0x4];
	s26 =	simm.s32 $0x5  }
0x20: {  	[tilespmem:s3], [sflag:$0x5] =	stream.linear.gather [hbm4b:s24+s3], $0x1000, $0x38;
	[tilespmem:$0x11000] =	vst v63  }
0x21: {  	_ =	swait.ge [sflag:s26], $0x1000  }
0x22: {  	[sflag:s26] =	ssyncset.done $0x0  }
0x23: {  	[sflag:s26] =	ssyncadd.s32 $0xFFFFF000  }
0x24: {  	v2 =	vld.msk [tilespmem:$0x0], $0xff;
	_ =	sdelay $0x4  }
0x25: {  	v3 =	vshll.u32 v2, $0x5  }
0x26: {  	v2 =	vand.u32 $0x7, v2;
	v3 =	vand.u32 $0xFFFFFF00, v3  }
0x27: {  	v2 =	vor.u32 v2, v3  }
0x28: {  	v2 =	vperm.xlane v2, v0;
	_ =	sdelay $0x1  }
0x29: {  	v2 =	vadd.s32 v1, v2;
	_ =	sdelay $0x4  }
0x2a: {  	[tilespmem:s23], [sflag:$0x1] =	stream.indirect_vreg.gather [hbm4b:s1+s3], $0x80, v2, vm0, $0xb8;
	[tilespmem:$0x11000] =	vst v63  }
0x2b: {  	s25 =	simm.s32 $0x1800  }
0x2c: {  	[tilespmem:s25], [sflag:$0x1] =	stream.indirect_vreg.gather [hbm4b:s5+s3], $0x80, v2, vm0, $0xb8;
	[tilespmem:$0x11000] =	vst v63  }
0x2d: {  	s26 =	simm.s32 $0x2000  }
0x2e: {  	[tilespmem:s26], [sflag:$0x1] =	stream.indirect_vreg.gather [hbm4b:s6+s3], $0x80, v2, vm0, $0xb8;
	[tilespmem:$0x11000] =	vst v63  }
0x2f: {  	s25 =	simm.s32 $0x2800  }
0x30: {  	[tilespmem:s25], [sflag:$0x1] =	stream.indirect_vreg.gather [hbm4b:s7+s3], $0x80, v2, vm0, $0xb8;
	[tilespmem:$0x11000] =	vst v63  }
0x31: {  	s26 =	simm.s32 $0x3000  }
0x32: {  	[tilespmem:s26], [sflag:$0x1] =	stream.indirect_vreg.gather [hbm4b:s8+s3], $0x80, v2, vm0, $0xb8;
	[tilespmem:$0x11000] =	vst v63  }
0x33: {  	s25 =	simm.s32 $0x3800  }
0x34: {  	[tilespmem:s25], [sflag:$0x1] =	stream.indirect_vreg.gather [hbm4b:s9+s3], $0x80, v2, vm0, $0xb8;
	[tilespmem:$0x11000] =	vst v63  }
0x35: {  	s26 =	simm.s32 $0x4000  }
0x36: {  	[tilespmem:s26], [sflag:$0x1] =	stream.indirect_vreg.gather [hbm4b:s10+s3], $0x80, v2, vm0, $0xb8;
	[tilespmem:$0x11000] =	vst v63  }
0x37: {  	s25 =	simm.s32 $0x4800  }
0x38: {  	[tilespmem:s25], [sflag:$0x1] =	stream.indirect_vreg.gather [hbm4b:s11+s3], $0x80, v2, vm0, $0xb8;
	[tilespmem:$0x11000] =	vst v63  }
0x39: {  	s26 =	simm.s32 $0x5000  }
0x3a: {  	[tilespmem:s26], [sflag:$0x1] =	stream.indirect_vreg.gather [hbm4b:s12+s3], $0x80, v2, vm0, $0xb8;
	[tilespmem:$0x11000] =	vst v63  }
0x3b: {  	s25 =	simm.s32 $0x5800  }
0x3c: {  	[tilespmem:s25], [sflag:$0x1] =	stream.indirect_vreg.gather [hbm4b:s13+s3], $0x80, v2, vm0, $0xb8;
	[tilespmem:$0x11000] =	vst v63  }
0x3d: {  	s26 =	simm.s32 $0x6000  }
0x3e: {  	[tilespmem:s26], [sflag:$0x1] =	stream.indirect_vreg.gather [hbm4b:s14+s3], $0x80, v2, vm0, $0xb8;
	[tilespmem:$0x11000] =	vst v63  }
0x3f: {  	s25 =	simm.s32 $0x6800  }
0x40: {  	[tilespmem:s25], [sflag:$0x1] =	stream.indirect_vreg.gather [hbm4b:s15+s3], $0x80, v2, vm0, $0xb8;
	[tilespmem:$0x11000] =	vst v63  }
0x41: {  	s26 =	simm.s32 $0x7000  }
0x42: {  	[tilespmem:s26], [sflag:$0x1] =	stream.indirect_vreg.gather [hbm4b:s16+s3], $0x80, v2, vm0, $0xb8;
	[tilespmem:$0x11000] =	vst v63  }
0x43: {  	s25 =	simm.s32 $0x7800  }
0x44: {  	[tilespmem:s25], [sflag:$0x1] =	stream.indirect_vreg.gather [hbm4b:s17+s3], $0x80, v2, vm0, $0xb8;
	[tilespmem:$0x11000] =	vst v63  }
0x45: {  	s26 =	simm.s32 $0x8000  }
0x46: {  	[tilespmem:s26], [sflag:$0x1] =	stream.indirect_vreg.gather [hbm4b:s18+s3], $0x80, v2, vm0, $0xb8;
	[tilespmem:$0x11000] =	vst v63  }
0x47: {  	s25 =	simm.s32 $0x8800  }
0x48: {  	[tilespmem:s25], [sflag:$0x1] =	stream.indirect_vreg.gather [hbm4b:s19+s3], $0x80, v2, vm0, $0xb8;
	[tilespmem:$0x11000] =	vst v63  }
0x49: {  	v2 =	vld.msk [tilespmem:$0x80], $0xff;
	_ =	sdelay $0x4  }
0x4a: {  	v3 =	vshll.u32 v2, $0x5  }
0x4b: {  	v2 =	vand.u32 $0x7, v2;
	v3 =	vand.u32 $0xFFFFFF00, v3  }
0x4c: {  	v2 =	vor.u32 v2, v3  }
0x4d: {  	v2 =	vperm.xlane v2, v0;
	_ =	sdelay $0x1  }
0x4e: {  	v2 =	vadd.s32 v1, v2;
	_ =	sdelay $0x4  }
0x4f: {  	[tilespmem:s28], [sflag:$0x2] =	stream.indirect_vreg.gather [hbm4b:s1+s3], $0x80, v2, vm0, $0xb8;
	[tilespmem:$0x11000] =	vst v63  }
0x50: {  	s26 =	simm.s32 $0x9800  }
0x51: {  	[tilespmem:s26], [sflag:$0x2] =	stream.indirect_vreg.gather [hbm4b:s5+s3], $0x80, v2, vm0, $0xb8;
	[tilespmem:$0x11000] =	vst v63  }
0x52: {  	s25 =	simm.s32 $0xA000  }
0x53: {  	[tilespmem:s25], [sflag:$0x2] =	stream.indirect_vreg.gather [hbm4b:s6+s3], $0x80, v2, vm0, $0xb8;
	[tilespmem:$0x11000] =	vst v63  }
0x54: {  	s26 =	simm.s32 $0xA800  }
0x55: {  	[tilespmem:s26], [sflag:$0x2] =	stream.indirect_vreg.gather [hbm4b:s7+s3], $0x80, v2, vm0, $0xb8;
	[tilespmem:$0x11000] =	vst v63  }
0x56: {  	s25 =	simm.s32 $0xB000  }
0x57: {  	[tilespmem:s25], [sflag:$0x2] =	stream.indirect_vreg.gather [hbm4b:s8+s3], $0x80, v2, vm0, $0xb8;
	[tilespmem:$0x11000] =	vst v63  }
0x58: {  	s26 =	simm.s32 $0xB800  }
0x59: {  	[tilespmem:s26], [sflag:$0x2] =	stream.indirect_vreg.gather [hbm4b:s9+s3], $0x80, v2, vm0, $0xb8;
	[tilespmem:$0x11000] =	vst v63  }
0x5a: {  	s25 =	simm.s32 $0xC000  }
0x5b: {  	[tilespmem:s25], [sflag:$0x2] =	stream.indirect_vreg.gather [hbm4b:s10+s3], $0x80, v2, vm0, $0xb8;
	[tilespmem:$0x11000] =	vst v63  }
0x5c: {  	s26 =	simm.s32 $0xC800  }
0x5d: {  	[tilespmem:s26], [sflag:$0x2] =	stream.indirect_vreg.gather [hbm4b:s11+s3], $0x80, v2, vm0, $0xb8;
	[tilespmem:$0x11000] =	vst v63  }
0x5e: {  	s25 =	simm.s32 $0xD000  }
0x5f: {  	[tilespmem:s25], [sflag:$0x2] =	stream.indirect_vreg.gather [hbm4b:s12+s3], $0x80, v2, vm0, $0xb8;
	[tilespmem:$0x11000] =	vst v63  }
0x60: {  	s26 =	simm.s32 $0xD800  }
0x61: {  	[tilespmem:s26], [sflag:$0x2] =	stream.indirect_vreg.gather [hbm4b:s13+s3], $0x80, v2, vm0, $0xb8;
	[tilespmem:$0x11000] =	vst v63  }
0x62: {  	s25 =	simm.s32 $0xE000  }
0x63: {  	[tilespmem:s25], [sflag:$0x2] =	stream.indirect_vreg.gather [hbm4b:s14+s3], $0x80, v2, vm0, $0xb8;
	[tilespmem:$0x11000] =	vst v63  }
0x64: {  	s26 =	simm.s32 $0xE800  }
0x65: {  	[tilespmem:s26], [sflag:$0x2] =	stream.indirect_vreg.gather [hbm4b:s15+s3], $0x80, v2, vm0, $0xb8;
	[tilespmem:$0x11000] =	vst v63  }
0x66: {  	_ = 	snop  }
0x67: {  	[tilespmem:s29], [sflag:$0x2] =	stream.indirect_vreg.gather [hbm4b:s16+s3], $0x80, v2, vm0, $0xb8;
	[tilespmem:$0x11000] =	vst v63  }
0x68: {  	_ = 	snop  }
0x69: {  	[tilespmem:s30], [sflag:$0x2] =	stream.indirect_vreg.gather [hbm4b:s17+s3], $0x80, v2, vm0, $0xb8;
	[tilespmem:$0x11000] =	vst v63  }
0x6a: {  	_ = 	snop  }
0x6b: {  	[tilespmem:s31], [sflag:$0x2] =	stream.indirect_vreg.gather [hbm4b:s18+s3], $0x80, v2, vm0, $0xb8;
	[tilespmem:$0x11000] =	vst v63  }
0x6c: {  	s24 =	simm.s32 $0x180;
	s25 =	simm.s32 $0x0  }
0x6d: {  	[tilespmem:s0], [sflag:$0x2] =	stream.indirect_vreg.gather [hbm4b:s19+s3], $0x80, v2, vm0, $0xb8;
	[tilespmem:$0x11000] =	vst v63  }
.LBB2_2:
0x6e: {  	_ =	swait.ge [sflag:s2], $0x8000  }
0x6f: {  	[sflag:s2] =	ssyncset.done $0x0  }
0x70: {  	s26 =	sadd.s32 s25, s21;
	p0 =	seq.s32 s25, $0x1E000;
	[sflag:s2] =	ssyncadd.s32 $0xFFFF8000  }
0x71: {  	[hbm4b:s26+s3] =	stream.linear.scatter [tilespmem:s23], [sflag:$0x3], $0x8000, $0x38;
	[tilespmem:$0x11000] =	vst v63  }
.Ltmp2:
0x72: {  	_ = 	snop;
	(pc) =	sbr.rel @p0 .LBB2_4-.Ltmp2, $4  }
0x73: {  	_ =	swait.ge [sflag:s4], $0x8000  }
0x74: {  	[sflag:s4] =	ssyncset.done $0x0  }
0x75: {  	s26 =	sadd.s32 $0x1000, s26;
	[sflag:s4] =	ssyncadd.s32 $0xFFFF8000  }
0x76: {  	[hbm4b:s26+s3] =	stream.linear.scatter [tilespmem:s28], [sflag:$0x4], $0x8000, $0x38;
	[tilespmem:$0x11000] =	vst v63  }
0x77: {  	_ =	swait.ge [sflag:s20], $0x8000  }
0x78: {  	[sflag:s20] =	ssyncset.done $0x0  }
0x79: {  	[sflag:s20] =	ssyncadd.s32 $0xFFFF8000  }
0x7a: {  	v2 =	vld.msk [tilespmem:s24+$0xFFFFFF80], $0xff;
	_ =	sdelay $0x4  }
0x7b: {  	v3 =	vshll.u32 v2, $0x5  }
0x7c: {  	v2 =	vand.u32 $0x7, v2;
	v3 =	vand.u32 $0xFFFFFF00, v3  }
0x7d: {  	v2 =	vor.u32 v2, v3  }
0x7e: {  	v2 =	vperm.xlane v2, v0;
	_ =	sdelay $0x1  }
0x7f: {  	v2 =	vadd.s32 v1, v2;
	_ =	sdelay $0x4  }
0x80: {  	[tilespmem:s23], [sflag:$0x1] =	stream.indirect_vreg.gather [hbm4b:s1+s3], $0x80, v2, vm0, $0xb8;
	[tilespmem:$0x11000] =	vst v63  }
0x81: {  	s26 =	simm.s32 $0x1800  }
0x82: {  	[tilespmem:s26], [sflag:$0x1] =	stream.indirect_vreg.gather [hbm4b:s5+s3], $0x80, v2, vm0, $0xb8;
	[tilespmem:$0x11000] =	vst v63  }
0x83: {  	s26 =	simm.s32 $0x2000  }
0x84: {  	[tilespmem:s26], [sflag:$0x1] =	stream.indirect_vreg.gather [hbm4b:s6+s3], $0x80, v2, vm0, $0xb8;
	[tilespmem:$0x11000] =	vst v63  }
0x85: {  	s26 =	simm.s32 $0x2800  }
0x86: {  	[tilespmem:s26], [sflag:$0x1] =	stream.indirect_vreg.gather [hbm4b:s7+s3], $0x80, v2, vm0, $0xb8;
	[tilespmem:$0x11000] =	vst v63  }
0x87: {  	s26 =	simm.s32 $0x3000  }
0x88: {  	[tilespmem:s26], [sflag:$0x1] =	stream.indirect_vreg.gather [hbm4b:s8+s3], $0x80, v2, vm0, $0xb8;
	[tilespmem:$0x11000] =	vst v63  }
0x89: {  	s26 =	simm.s32 $0x3800  }
0x8a: {  	[tilespmem:s26], [sflag:$0x1] =	stream.indirect_vreg.gather [hbm4b:s9+s3], $0x80, v2, vm0, $0xb8;
	[tilespmem:$0x11000] =	vst v63  }
0x8b: {  	s26 =	simm.s32 $0x4000  }
0x8c: {  	[tilespmem:s26], [sflag:$0x1] =	stream.indirect_vreg.gather [hbm4b:s10+s3], $0x80, v2, vm0, $0xb8;
	[tilespmem:$0x11000] =	vst v63  }
0x8d: {  	s26 =	simm.s32 $0x4800  }
0x8e: {  	[tilespmem:s26], [sflag:$0x1] =	stream.indirect_vreg.gather [hbm4b:s11+s3], $0x80, v2, vm0, $0xb8;
	[tilespmem:$0x11000] =	vst v63  }
0x8f: {  	s26 =	simm.s32 $0x5000  }
0x90: {  	[tilespmem:s26], [sflag:$0x1] =	stream.indirect_vreg.gather [hbm4b:s12+s3], $0x80, v2, vm0, $0xb8;
	[tilespmem:$0x11000] =	vst v63  }
0x91: {  	s26 =	simm.s32 $0x5800  }
0x92: {  	[tilespmem:s26], [sflag:$0x1] =	stream.indirect_vreg.gather [hbm4b:s13+s3], $0x80, v2, vm0, $0xb8;
	[tilespmem:$0x11000] =	vst v63  }
0x93: {  	s26 =	simm.s32 $0x6000  }
0x94: {  	[tilespmem:s26], [sflag:$0x1] =	stream.indirect_vreg.gather [hbm4b:s14+s3], $0x80, v2, vm0, $0xb8;
	[tilespmem:$0x11000] =	vst v63  }
0x95: {  	s26 =	simm.s32 $0x6800  }
0x96: {  	[tilespmem:s26], [sflag:$0x1] =	stream.indirect_vreg.gather [hbm4b:s15+s3], $0x80, v2, vm0, $0xb8;
	[tilespmem:$0x11000] =	vst v63  }
0x97: {  	s26 =	simm.s32 $0x7000  }
0x98: {  	[tilespmem:s26], [sflag:$0x1] =	stream.indirect_vreg.gather [hbm4b:s16+s3], $0x80, v2, vm0, $0xb8;
	[tilespmem:$0x11000] =	vst v63  }
0x99: {  	s26 =	simm.s32 $0x7800  }
0x9a: {  	[tilespmem:s26], [sflag:$0x1] =	stream.indirect_vreg.gather [hbm4b:s17+s3], $0x80, v2, vm0, $0xb8;
	[tilespmem:$0x11000] =	vst v63  }
0x9b: {  	s26 =	simm.s32 $0x8000  }
0x9c: {  	[tilespmem:s26], [sflag:$0x1] =	stream.indirect_vreg.gather [hbm4b:s18+s3], $0x80, v2, vm0, $0xb8;
	[tilespmem:$0x11000] =	vst v63  }
0x9d: {  	s26 =	simm.s32 $0x8800  }
0x9e: {  	[tilespmem:s26], [sflag:$0x1] =	stream.indirect_vreg.gather [hbm4b:s19+s3], $0x80, v2, vm0, $0xb8;
	[tilespmem:$0x11000] =	vst v63  }
0x9f: {  	_ =	swait.ge [sflag:s22], $0x8000  }
0xa0: {  	[sflag:s22] =	ssyncset.done $0x0  }
0xa1: {  	[sflag:s22] =	ssyncadd.s32 $0xFFFF8000  }
0xa2: {  	v2 =	vld.msk [tilespmem:s24+$0x0], $0xff;
	_ =	sdelay $0x4  }
0xa3: {  	v3 =	vshll.u32 v2, $0x5  }
0xa4: {  	v2 =	vand.u32 $0x7, v2;
	v3 =	vand.u32 $0xFFFFFF00, v3  }
0xa5: {  	v2 =	vor.u32 v2, v3  }
0xa6: {  	v2 =	vperm.xlane v2, v0;
	_ =	sdelay $0x1  }
0xa7: {  	v2 =	vadd.s32 v1, v2;
	_ =	sdelay $0x4  }
0xa8: {  	[tilespmem:s28], [sflag:$0x2] =	stream.indirect_vreg.gather [hbm4b:s1+s3], $0x80, v2, vm0, $0xb8;
	[tilespmem:$0x11000] =	vst v63  }
0xa9: {  	s26 =	simm.s32 $0x9800  }
0xaa: {  	[tilespmem:s26], [sflag:$0x2] =	stream.indirect_vreg.gather [hbm4b:s5+s3], $0x80, v2, vm0, $0xb8;
	[tilespmem:$0x11000] =	vst v63  }
0xab: {  	s26 =	simm.s32 $0xA000  }
0xac: {  	[tilespmem:s26], [sflag:$0x2] =	stream.indirect_vreg.gather [hbm4b:s6+s3], $0x80, v2, vm0, $0xb8;
	[tilespmem:$0x11000] =	vst v63  }
0xad: {  	s26 =	simm.s32 $0xA800  }
0xae: {  	[tilespmem:s26], [sflag:$0x2] =	stream.indirect_vreg.gather [hbm4b:s7+s3], $0x80, v2, vm0, $0xb8;
	[tilespmem:$0x11000] =	vst v63  }
0xaf: {  	s26 =	simm.s32 $0xB000  }
0xb0: {  	[tilespmem:s26], [sflag:$0x2] =	stream.indirect_vreg.gather [hbm4b:s8+s3], $0x80, v2, vm0, $0xb8;
	[tilespmem:$0x11000] =	vst v63  }
0xb1: {  	s26 =	simm.s32 $0xB800  }
0xb2: {  	[tilespmem:s26], [sflag:$0x2] =	stream.indirect_vreg.gather [hbm4b:s9+s3], $0x80, v2, vm0, $0xb8;
	[tilespmem:$0x11000] =	vst v63  }
0xb3: {  	s26 =	simm.s32 $0xC000  }
0xb4: {  	[tilespmem:s26], [sflag:$0x2] =	stream.indirect_vreg.gather [hbm4b:s10+s3], $0x80, v2, vm0, $0xb8;
	[tilespmem:$0x11000] =	vst v63  }
0xb5: {  	s26 =	simm.s32 $0xC800  }
0xb6: {  	[tilespmem:s26], [sflag:$0x2] =	stream.indirect_vreg.gather [hbm4b:s11+s3], $0x80, v2, vm0, $0xb8;
	[tilespmem:$0x11000] =	vst v63  }
0xb7: {  	s26 =	simm.s32 $0xD000  }
0xb8: {  	[tilespmem:s26], [sflag:$0x2] =	stream.indirect_vreg.gather [hbm4b:s12+s3], $0x80, v2, vm0, $0xb8;
	[tilespmem:$0x11000] =	vst v63  }
0xb9: {  	s26 =	simm.s32 $0xD800  }
0xba: {  	[tilespmem:s26], [sflag:$0x2] =	stream.indirect_vreg.gather [hbm4b:s13+s3], $0x80, v2, vm0, $0xb8;
	[tilespmem:$0x11000] =	vst v63  }
0xbb: {  	s26 =	simm.s32 $0xE000  }
0xbc: {  	[tilespmem:s26], [sflag:$0x2] =	stream.indirect_vreg.gather [hbm4b:s14+s3], $0x80, v2, vm0, $0xb8;
	[tilespmem:$0x11000] =	vst v63  }
0xbd: {  	s26 =	simm.s32 $0xE800  }
0xbe: {  	[tilespmem:s26], [sflag:$0x2] =	stream.indirect_vreg.gather [hbm4b:s15+s3], $0x80, v2, vm0, $0xb8;
	[tilespmem:$0x11000] =	vst v63  }
0xbf: {  	s25 =	sadd.s32 $0x2000, s25  }
0xc0: {  	[tilespmem:s29], [sflag:$0x2] =	stream.indirect_vreg.gather [hbm4b:s16+s3], $0x80, v2, vm0, $0xb8;
	[tilespmem:$0x11000] =	vst v63  }
0xc1: {  	p0 =	sne.s32 s25, $0x20000  }
0xc2: {  	[tilespmem:s30], [sflag:$0x2] =	stream.indirect_vreg.gather [hbm4b:s17+s3], $0x80, v2, vm0, $0xb8;
	[tilespmem:$0x11000] =	vst v63  }
.Ltmp3:
0xc3: {  	_ = 	snop;
	(pc) =	sbr.rel @p0 .LBB2_2-.Ltmp3, $4  }
.Ltmp4:
0xc4: {  	_ = 	snop;
	(pc) =	sbr.rel @!p0 .LBB2_4-.Ltmp4, $4  }
0xc5: {  	[tilespmem:s31], [sflag:$0x2] =	stream.indirect_vreg.gather [hbm4b:s18+s3], $0x80, v2, vm0, $0xb8;
	[tilespmem:$0x11000] =	vst v63  }
0xc6: {  	s24 =	sadd.s32 $0x100, s24  }
0xc7: {  	[tilespmem:s0], [sflag:$0x2] =	stream.indirect_vreg.gather [hbm4b:s19+s3], $0x80, v2, vm0, $0xb8;
	[tilespmem:$0x11000] =	vst v63  }
0xc8: {  	_ = 	snop  }
.LBB2_5:
0xc9: {  	_ =	sfence.sel $0x180000  }
0xca: {  	[bflag:$0x0] =	sbarrier.arrive $0xFFFF  }
0xcb: {  	_ =	strace $0x90000047  }
0xcc: {  	s0 =	stileid.u32;
	[bflag:$0x2] =	sbarrier.arrive $0xFFFF  }
0xcd: {  	p0 =	sne.s32 s0, $0x0;
	s0 =	rddreg [dreg:$0x3]  }
0xce: {  	s0 =	sadd.s32 @!p0 $0x100000, s0  }
0xcf: {  	[sflag:s0] =	ssyncadd.tile.s32 @!p0 $0x1;
	_ =	shalt  }
.Lfunc_end2:
_tile_overlayer_lowered:
.L_overlay_start_2:
0xd0: {  	(tag) =	ssettag $0x2  }
0xd1: {  	s0 =	rddreg [dreg:$0x0];
	s2 =	stileid.u32  }
0xd2: {  	s1 =	rddreg [dreg:$0x1];
	p0 =	sne.s32 s2, $0x0  }
0xd3: {  	s3 =	rddreg [dreg:$0x2];
	[bflag:$0x3] =	sbarrier.arrive $0xFFFF;
	s2 =	simm.s32 @!p0 $0x1C05  }
0xd4: {  	[timem:s3], [sflag:s2] =	dma.local @!p0 [hbm:s0], s1  }
0xd5: {  	s0 =	simm.s32 @!p0 $0x5  }
0xd6: {  	_ =	swait.ge @!p0 [sflag:s0], s1  }
0xd7: {  	s1 =	ssub.s32 @!p0 $0x0, s1;
	[sflag:s0] =	ssyncset.done @!p0 $0x0  }
0xd8: {  	[sflag:s0] =	ssyncadd.s32 @!p0 s1  }
0xd9: {  	[bflag:$0x3] =	sbarrier.arrive $0xFFFF  }
0xda: {  	_ =	shalt  }

</sc_bundles>
